<compile_context>
chip_gen: v7x
topology: tpu7x:2x2x1
jax: 0.10.2.dev20260603
libtpu: 0.0.44.dev20260713+nightly
codegen_flags: <defaults>
</compile_context>

<pallas_src>
import functools

import jax
import jax.numpy as jnp
from jax import lax
from jax.experimental import pallas as pl
from jax.experimental.pallas import tpu as pltpu
from jax.experimental.pallas import tpu_sc as plsc

NC, NS = 2, 16
NW = NC * NS
G = 128
GPC = 2
C = G * GPC
NBUF = 2


def _ln_table_kernel(x_ref, g_ref, b_ref, o_ref):
    x = x_ref[...]
    mean = jnp.mean(x, axis=1, keepdims=True)
    c = x - mean
    var = jnp.mean(c * c, axis=1, keepdims=True)
    o_ref[...] = c * lax.rsqrt(var + 1e-12) * g_ref[...] + b_ref[...]


def _make_sc_expand(n_tokens: int, d: int):
    assert n_tokens % (NW * C) == 0
    per_w = n_tokens // NW
    chunks = per_w // C
    groups = per_w // G
    assert chunks % NBUF == 0

    mesh = plsc.VectorSubcoreMesh(core_axis_name="c", subcore_axis_name="s")

    @functools.partial(
        pl.kernel,
        mesh=mesh,
        compiler_params=pltpu.CompilerParams(needs_layout_passes=False),
        out_type=jax.ShapeDtypeStruct((n_tokens, d), jnp.float32),
        scratch_types=[
            pltpu.VMEM((groups, G), jnp.int32),
            pltpu.VMEM_SHARED((8, d), jnp.float32),
            pltpu.VMEM((C, d), jnp.float32),
            pltpu.VMEM((C, d), jnp.float32),
            pltpu.SemaphoreType.DMA,
            pltpu.SemaphoreType.DMA,
            pltpu.SemaphoreType.DMA,
        ],
    )
    def sc_expand(table_hbm, idx_hbm, out_hbm,
                  idx_v, table_sh, ob0, ob1, w0, w1, gsem):
        outbufs = (ob0, ob1)
        wsems = (w0, w1)
        cid = lax.axis_index("c")
        sid = lax.axis_index("s")
        wid = sid * NC + cid
        base = wid * per_w

        @pl.when(sid == 0)
        def _():
            pltpu.sync_copy(table_hbm, table_sh)

        pltpu.sync_copy(idx_hbm.at[wid], idx_v)
        plsc.subcore_barrier()

        def fill_chunk(chunk, b):
            ob = outbufs[b]
            g0 = chunk * GPC
            cps = [
                pltpu.async_copy(
                    table_sh.at[idx_v.at[g0 + i]],
                    ob.at[pl.ds(i * G, G)], gsem)
                for i in range(GPC)
            ]
            for cp in cps:
                cp.wait()

        def start_write(chunk, b):
            pltpu.async_copy(
                outbufs[b], out_hbm.at[pl.ds(base + chunk * C, C)], wsems[b])

        def wait_write(b):
            pltpu.make_async_copy(
                outbufs[b], out_hbm.at[pl.ds(0, C)], wsems[b]).wait()

        for b in range(NBUF):
            fill_chunk(b, b)
            start_write(b, b)

        def outer(go, carry):
            for b in range(NBUF):
                chunk = go * NBUF + b
                wait_write(b)
                fill_chunk(chunk, b)
                start_write(chunk, b)
            return carry

        lax.fori_loop(1, chunks // NBUF, outer, 0)
        for b in range(NBUF):
            wait_write(b)

    return sc_expand


def kernel(snp, is_padding, emb_table, ln_gamma, ln_beta):
    b, l = snp.shape
    v, d = emb_table.shape
    n = b * l

    table8 = jnp.zeros((8, d), jnp.float32).at[:v].set(emb_table)
    normed = pl.pallas_call(
        _ln_table_kernel,
        out_shape=jax.ShapeDtypeStruct((8, d), jnp.float32),
    )(table8, ln_gamma.reshape(1, d), ln_beta.reshape(1, d))

    idx = snp.astype(jnp.int32).reshape(NW, n // (NW * G), G)
    out = _make_sc_expand(n, d)(normed, idx)
    return out.reshape(b, l, d), is_padding

# --- scband reference (transcript-rebuilt; emitter-appended) ---
"""Pipeline reference for scband-snpembedding-60739427500412 (READ-ONLY COPY).

The authoritative reference and input builder live on the scoring server;
editing this copy changes nothing except your own understanding.
"""

import jax, jax.numpy as jnp
import numpy as np

B, L, D, V = 4096, 200, 128, 5

def setup_inputs(seed: int = 0) -> dict:
    key = jax.random.key(seed)
    k1, k2 = jax.random.split(key)
    snp = jax.random.randint(k1, (B, L), 0, V, dtype=jnp.int64) if jax.config.jax_enable_x64 else jax.random.randint(k1, (B, L), 0, V, dtype=jnp.int32)
    is_padding = jnp.zeros((B, L), dtype=bool)
    emb_table = jax.random.normal(k2, (V, D), dtype=jnp.float32)
    ln_gamma = jnp.ones((D,), dtype=jnp.float32)
    ln_beta = jnp.zeros((D,), dtype=jnp.float32)
    return {"snp": snp, "is_padding": is_padding, "emb_table": emb_table, "ln_gamma": ln_gamma, "ln_beta": ln_beta}

def reference(snp, is_padding, emb_table, ln_gamma, ln_beta):
    # embeddings = zeros + sum over embedding dict (only 'snp' key)
    batch_size, max_seq_len = snp.shape
    d_model = emb_table.shape[1]
    embeddings = jnp.zeros((batch_size, max_seq_len, d_model), dtype=jnp.float32)
    embeddings = embeddings + jnp.take(emb_table, snp, axis=0)
    # LayerNorm(d_model, eps=1e-12)
    mean = jnp.mean(embeddings, axis=-1, keepdims=True)
    var = jnp.mean(jnp.square(embeddings - mean), axis=-1, keepdims=True)
    normed = (embeddings - mean) / jnp.sqrt(var + 1e-12)
    embeddings = normed * ln_gamma + ln_beta
    # dropout in eval mode is identity
    return (embeddings, is_padding)

if __name__ == "__main__":
    import jax
    _d = setup_inputs()
    print(jax.jit(kernel)(*tuple(_d.values())))

</pallas_src>

<mosaic_0001>
#map = affine_map<(d0, d1) -> (0, 0)>
#map1 = affine_map<(d0, d1) -> (0, 0, 0)>
module attributes {stable_mosaic.version = 14 : i64} {
  func.func @sc_expand(%arg0: i32, %arg1: i32, %arg2: memref<8x128xf32, #tpu.memory_space<hbm>>, %arg3: memref<32x200x128xi32, #tpu.memory_space<hbm>>, %arg4: memref<819200x128xf32, #tpu.memory_space<hbm>>, %arg5: memref<200x128xi32, #tpu.memory_space<vmem>>, %arg6: memref<8x128xf32, #tpu.memory_space<vmem_shared>>, %arg7: memref<256x128xf32, #tpu.memory_space<vmem>>, %arg8: memref<256x128xf32, #tpu.memory_space<vmem>>, %arg9: memref<!tpu.dma_semaphore, #tpu.memory_space<semaphore_mem>>, %arg10: memref<!tpu.dma_semaphore, #tpu.memory_space<semaphore_mem>>, %arg11: memref<!tpu.dma_semaphore, #tpu.memory_space<semaphore_mem>>) attributes {dimension_semantics = [#tpu.dimension_semantics<core_parallel>, #tpu.dimension_semantics<subcore_parallel>], iteration_bounds = array<i64: 2, 16>, scalar_prefetch = 0 : i64, scratch_operands = 7 : i64, tpu.core_type = #tpu.core_type<sc_vector_subcore>, window_params = [{transform_indices = #map}, {transform_indices = #map1}, {transform_indices = #map}]} {
    %mul3A = arith.constant 2 : i32
    %mul3A_0 = arith.muli %arg1, %mul3A : i32
    %add3A = arith.addi %mul3A_0, %arg0 : i32
    %mul3A_1 = arith.constant 25600 : i32
    %mul3A_2 = arith.muli %add3A, %mul3A_1 : i32
    %eq3A = arith.constant 0 : i32
    %eq3A_3 = arith.cmpi eq, %arg1, %eq3A : i32
    %convert_element_type3A = arith.extui %eq3A_3 : i1 to i32
    %cond3A = arith.constant 0 : i32
    %cond3A_4 = arith.cmpi ne, %convert_element_type3A, %cond3A : i32
    scf.if %cond3A_4 {
      "tpu.region"() ({
        %run_scoped3A = tpu.sem_alloc : memref<!tpu.dma_semaphore, #tpu.memory_space<semaphore_mem>>
        tpu.enqueue_dma source(%arg2 : memref<8x128xf32, #tpu.memory_space<hbm>>) target(%arg6 : memref<8x128xf32, #tpu.memory_space<vmem_shared>>) target_semaphore(%run_scoped3A : memref<!tpu.dma_semaphore, #tpu.memory_space<semaphore_mem>>)
        tpu.wait_dma2 semaphore(%run_scoped3A : memref<!tpu.dma_semaphore, #tpu.memory_space<semaphore_mem>>) src(%arg2 : memref<8x128xf32, #tpu.memory_space<hbm>>) dst(%arg6 : memref<8x128xf32, #tpu.memory_space<vmem_shared>>)
        tpu.yield
      }) : () -> ()
    } else {
    }
    "tpu.region"() ({
      %run_scoped3A = tpu.sem_alloc : memref<!tpu.dma_semaphore, #tpu.memory_space<semaphore_mem>>
      %dma_start3A_112 = arith.constant 0 : i32
      %dma_start3A_113 = arith.constant 0 : i32
      %dma_start3A_114 = tpu.memref_slice %arg3[%add3A, %dma_start3A_112, %dma_start3A_113] : memref<32x200x128xi32, #tpu.memory_space<hbm>> -> memref<1x200x128xi32, #tpu.memory_space<hbm>>
      %dma_start3A_115 = tpu.memref_squeeze %dma_start3A_114 : memref<1x200x128xi32, #tpu.memory_space<hbm>> -> memref<200x128xi32, #tpu.memory_space<hbm>>
      %dma_start3A_116 = arith.constant 0 : i32
      %dma_start3A_117 = arith.constant 0 : i32
      %dma_start3A_118 = tpu.memref_slice %arg3[%add3A, %dma_start3A_116, %dma_start3A_117] : memref<32x200x128xi32, #tpu.memory_space<hbm>> -> memref<1x200x128xi32, #tpu.memory_space<hbm>>
      %dma_start3A_119 = tpu.memref_squeeze %dma_start3A_118 : memref<1x200x128xi32, #tpu.memory_space<hbm>> -> memref<200x128xi32, #tpu.memory_space<hbm>>
      tpu.enqueue_dma source(%dma_start3A_119 : memref<200x128xi32, #tpu.memory_space<hbm>>) target(%arg5 : memref<200x128xi32, #tpu.memory_space<vmem>>) target_semaphore(%run_scoped3A : memref<!tpu.dma_semaphore, #tpu.memory_space<semaphore_mem>>)
      %dma_wait3A_120 = arith.constant 0 : i32
      %dma_wait3A_121 = arith.constant 0 : i32
      %dma_wait3A_122 = tpu.memref_slice %arg3[%add3A, %dma_wait3A_120, %dma_wait3A_121] : memref<32x200x128xi32, #tpu.memory_space<hbm>> -> memref<1x200x128xi32, #tpu.memory_space<hbm>>
      %dma_wait3A_123 = tpu.memref_squeeze %dma_wait3A_122 : memref<1x200x128xi32, #tpu.memory_space<hbm>> -> memref<200x128xi32, #tpu.memory_space<hbm>>
      %dma_wait3A_124 = arith.constant 0 : i32
      %dma_wait3A_125 = arith.constant 0 : i32
      %dma_wait3A_126 = tpu.memref_slice %arg3[%add3A, %dma_wait3A_124, %dma_wait3A_125] : memref<32x200x128xi32, #tpu.memory_space<hbm>> -> memref<1x200x128xi32, #tpu.memory_space<hbm>>
      %dma_wait3A_127 = tpu.memref_squeeze %dma_wait3A_126 : memref<1x200x128xi32, #tpu.memory_space<hbm>> -> memref<200x128xi32, #tpu.memory_space<hbm>>
      tpu.wait_dma2 semaphore(%run_scoped3A : memref<!tpu.dma_semaphore, #tpu.memory_space<semaphore_mem>>) src(%dma_wait3A_127 : memref<200x128xi32, #tpu.memory_space<hbm>>) dst(%arg5 : memref<200x128xi32, #tpu.memory_space<vmem>>)
      tpu.yield
    }) : () -> ()
    %barrier3A = arith.constant 0 : index
    tpu.barrier barrier_id(%barrier3A)
    %dma_start3A = arith.constant 0 : i32
    %dma_start3A_5 = arith.constant 0 : i32
    %dma_start3A_6 = arith.constant 0 : i32
    %dma_start3A_7 = tpu.memref_slice %arg7[%dma_start3A_5, %dma_start3A_6] : memref<256x128xf32, #tpu.memory_space<vmem>> -> memref<128x128xf32, #tpu.memory_space<vmem>>
    %dma_start3A_8 = arith.constant 0 : i32
    %dma_start3A_9 = tpu.memref_slice %arg5[%dma_start3A, %dma_start3A_8] : memref<200x128xi32, #tpu.memory_space<vmem>> -> memref<1x128xi32, #tpu.memory_space<vmem>>
    %dma_start3A_10 = tpu.memref_squeeze %dma_start3A_9 : memref<1x128xi32, #tpu.memory_space<vmem>> -> memref<128xi32, #tpu.memory_space<vmem>>
    %dma_start3A_11 = arith.constant 0 : i32
    %dma_start3A_12 = arith.constant 0 : i32
    %dma_start3A_13 = tpu.memref_slice %arg6[%dma_start3A_11, %dma_start3A_12] : memref<8x128xf32, #tpu.memory_space<vmem_shared>> -> memref<8x128xf32, #tpu.memory_space<vmem_shared>>
    tpu.enqueue_indirect_dma source(%dma_start3A_13 : memref<8x128xf32, #tpu.memory_space<vmem_shared>>) target(%dma_start3A_7 : memref<128x128xf32, #tpu.memory_space<vmem>>) offsets(%dma_start3A_10 : memref<128xi32, #tpu.memory_space<vmem>>) semaphore(%arg11 : memref<!tpu.dma_semaphore, #tpu.memory_space<semaphore_mem>>)
    %dma_start3A_14 = arith.constant 1 : i32
    %dma_start3A_15 = arith.constant 128 : i32
    %dma_start3A_16 = arith.constant 0 : i32
    %dma_start3A_17 = tpu.memref_slice %arg7[%dma_start3A_15, %dma_start3A_16] : memref<256x128xf32, #tpu.memory_space<vmem>> -> memref<128x128xf32, #tpu.memory_space<vmem>>
    %dma_start3A_18 = arith.constant 0 : i32
    %dma_start3A_19 = tpu.memref_slice %arg5[%dma_start3A_14, %dma_start3A_18] : memref<200x128xi32, #tpu.memory_space<vmem>> -> memref<1x128xi32, #tpu.memory_space<vmem>>
    %dma_start3A_20 = tpu.memref_squeeze %dma_start3A_19 : memref<1x128xi32, #tpu.memory_space<vmem>> -> memref<128xi32, #tpu.memory_space<vmem>>
    %dma_start3A_21 = arith.constant 0 : i32
    %dma_start3A_22 = arith.constant 0 : i32
    %dma_start3A_23 = tpu.memref_slice %arg6[%dma_start3A_21, %dma_start3A_22] : memref<8x128xf32, #tpu.memory_space<vmem_shared>> -> memref<8x128xf32, #tpu.memory_space<vmem_shared>>
    tpu.enqueue_indirect_dma source(%dma_start3A_23 : memref<8x128xf32, #tpu.memory_space<vmem_shared>>) target(%dma_start3A_17 : memref<128x128xf32, #tpu.memory_space<vmem>>) offsets(%dma_start3A_20 : memref<128xi32, #tpu.memory_space<vmem>>) semaphore(%arg11 : memref<!tpu.dma_semaphore, #tpu.memory_space<semaphore_mem>>)
    %dma_wait3A = arith.constant 0 : i32
    %dma_wait3A_24 = arith.constant 0 : i32
    %dma_wait3A_25 = arith.constant 0 : i32
    %dma_wait3A_26 = tpu.memref_slice %arg7[%dma_wait3A_24, %dma_wait3A_25] : memref<256x128xf32, #tpu.memory_space<vmem>> -> memref<128x128xf32, #tpu.memory_space<vmem>>
    %dma_wait3A_27 = arith.constant 0 : i32
    %dma_wait3A_28 = tpu.memref_slice %arg5[%dma_wait3A, %dma_wait3A_27] : memref<200x128xi32, #tpu.memory_space<vmem>> -> memref<1x128xi32, #tpu.memory_space<vmem>>
    %dma_wait3A_29 = tpu.memref_squeeze %dma_wait3A_28 : memref<1x128xi32, #tpu.memory_space<vmem>> -> memref<128xi32, #tpu.memory_space<vmem>>
    %dma_wait3A_30 = arith.constant 0 : i32
    %dma_wait3A_31 = arith.constant 0 : i32
    %dma_wait3A_32 = tpu.memref_slice %arg6[%dma_wait3A_30, %dma_wait3A_31] : memref<8x128xf32, #tpu.memory_space<vmem_shared>> -> memref<8x128xf32, #tpu.memory_space<vmem_shared>>
    tpu.wait_indirect_dma semaphore(%arg11 : memref<!tpu.dma_semaphore, #tpu.memory_space<semaphore_mem>>) src(%dma_wait3A_32 : memref<8x128xf32, #tpu.memory_space<vmem_shared>>) dst(%dma_wait3A_26 : memref<128x128xf32, #tpu.memory_space<vmem>>)
    %dma_wait3A_33 = arith.constant 1 : i32
    %dma_wait3A_34 = arith.constant 128 : i32
    %dma_wait3A_35 = arith.constant 0 : i32
    %dma_wait3A_36 = tpu.memref_slice %arg7[%dma_wait3A_34, %dma_wait3A_35] : memref<256x128xf32, #tpu.memory_space<vmem>> -> memref<128x128xf32, #tpu.memory_space<vmem>>
    %dma_wait3A_37 = arith.constant 0 : i32
    %dma_wait3A_38 = tpu.memref_slice %arg5[%dma_wait3A_33, %dma_wait3A_37] : memref<200x128xi32, #tpu.memory_space<vmem>> -> memref<1x128xi32, #tpu.memory_space<vmem>>
    %dma_wait3A_39 = tpu.memref_squeeze %dma_wait3A_38 : memref<1x128xi32, #tpu.memory_space<vmem>> -> memref<128xi32, #tpu.memory_space<vmem>>
    %dma_wait3A_40 = arith.constant 0 : i32
    %dma_wait3A_41 = arith.constant 0 : i32
    %dma_wait3A_42 = tpu.memref_slice %arg6[%dma_wait3A_40, %dma_wait3A_41] : memref<8x128xf32, #tpu.memory_space<vmem_shared>> -> memref<8x128xf32, #tpu.memory_space<vmem_shared>>
    tpu.wait_indirect_dma semaphore(%arg11 : memref<!tpu.dma_semaphore, #tpu.memory_space<semaphore_mem>>) src(%dma_wait3A_42 : memref<8x128xf32, #tpu.memory_space<vmem_shared>>) dst(%dma_wait3A_36 : memref<128x128xf32, #tpu.memory_space<vmem>>)
    %add3A_43 = arith.constant 0 : i32
    %add3A_44 = arith.addi %mul3A_2, %add3A_43 : i32
    %dma_start3A_45 = arith.constant 0 : i32
    %dma_start3A_46 = tpu.memref_slice %arg4[%add3A_44, %dma_start3A_45] : memref<819200x128xf32, #tpu.memory_space<hbm>> -> memref<256x128xf32, #tpu.memory_space<hbm>>
    %dma_start3A_47 = arith.constant 0 : i32
    %dma_start3A_48 = tpu.memref_slice %arg4[%add3A_44, %dma_start3A_47] : memref<819200x128xf32, #tpu.memory_space<hbm>> -> memref<256x128xf32, #tpu.memory_space<hbm>>
    tpu.enqueue_dma source(%arg7 : memref<256x128xf32, #tpu.memory_space<vmem>>) target(%dma_start3A_48 : memref<256x128xf32, #tpu.memory_space<hbm>>) target_semaphore(%arg9 : memref<!tpu.dma_semaphore, #tpu.memory_space<semaphore_mem>>)
    %dma_start3A_49 = arith.constant 2 : i32
    %dma_start3A_50 = arith.constant 0 : i32
    %dma_start3A_51 = arith.constant 0 : i32
    %dma_start3A_52 = tpu.memref_slice %arg8[%dma_start3A_50, %dma_start3A_51] : memref<256x128xf32, #tpu.memory_space<vmem>> -> memref<128x128xf32, #tpu.memory_space<vmem>>
    %dma_start3A_53 = arith.constant 0 : i32
    %dma_start3A_54 = tpu.memref_slice %arg5[%dma_start3A_49, %dma_start3A_53] : memref<200x128xi32, #tpu.memory_space<vmem>> -> memref<1x128xi32, #tpu.memory_space<vmem>>
    %dma_start3A_55 = tpu.memref_squeeze %dma_start3A_54 : memref<1x128xi32, #tpu.memory_space<vmem>> -> memref<128xi32, #tpu.memory_space<vmem>>
    %dma_start3A_56 = arith.constant 0 : i32
    %dma_start3A_57 = arith.constant 0 : i32
    %dma_start3A_58 = tpu.memref_slice %arg6[%dma_start3A_56, %dma_start3A_57] : memref<8x128xf32, #tpu.memory_space<vmem_shared>> -> memref<8x128xf32, #tpu.memory_space<vmem_shared>>
    tpu.enqueue_indirect_dma source(%dma_start3A_58 : memref<8x128xf32, #tpu.memory_space<vmem_shared>>) target(%dma_start3A_52 : memref<128x128xf32, #tpu.memory_space<vmem>>) offsets(%dma_start3A_55 : memref<128xi32, #tpu.memory_space<vmem>>) semaphore(%arg11 : memref<!tpu.dma_semaphore, #tpu.memory_space<semaphore_mem>>)
    %dma_start3A_59 = arith.constant 3 : i32
    %dma_start3A_60 = arith.constant 128 : i32
    %dma_start3A_61 = arith.constant 0 : i32
    %dma_start3A_62 = tpu.memref_slice %arg8[%dma_start3A_60, %dma_start3A_61] : memref<256x128xf32, #tpu.memory_space<vmem>> -> memref<128x128xf32, #tpu.memory_space<vmem>>
    %dma_start3A_63 = arith.constant 0 : i32
    %dma_start3A_64 = tpu.memref_slice %arg5[%dma_start3A_59, %dma_start3A_63] : memref<200x128xi32, #tpu.memory_space<vmem>> -> memref<1x128xi32, #tpu.memory_space<vmem>>
    %dma_start3A_65 = tpu.memref_squeeze %dma_start3A_64 : memref<1x128xi32, #tpu.memory_space<vmem>> -> memref<128xi32, #tpu.memory_space<vmem>>
    %dma_start3A_66 = arith.constant 0 : i32
    %dma_start3A_67 = arith.constant 0 : i32
    %dma_start3A_68 = tpu.memref_slice %arg6[%dma_start3A_66, %dma_start3A_67] : memref<8x128xf32, #tpu.memory_space<vmem_shared>> -> memref<8x128xf32, #tpu.memory_space<vmem_shared>>
    tpu.enqueue_indirect_dma source(%dma_start3A_68 : memref<8x128xf32, #tpu.memory_space<vmem_shared>>) target(%dma_start3A_62 : memref<128x128xf32, #tpu.memory_space<vmem>>) offsets(%dma_start3A_65 : memref<128xi32, #tpu.memory_space<vmem>>) semaphore(%arg11 : memref<!tpu.dma_semaphore, #tpu.memory_space<semaphore_mem>>)
    %dma_wait3A_69 = arith.constant 2 : i32
    %dma_wait3A_70 = arith.constant 0 : i32
    %dma_wait3A_71 = arith.constant 0 : i32
    %dma_wait3A_72 = tpu.memref_slice %arg8[%dma_wait3A_70, %dma_wait3A_71] : memref<256x128xf32, #tpu.memory_space<vmem>> -> memref<128x128xf32, #tpu.memory_space<vmem>>
    %dma_wait3A_73 = arith.constant 0 : i32
    %dma_wait3A_74 = tpu.memref_slice %arg5[%dma_wait3A_69, %dma_wait3A_73] : memref<200x128xi32, #tpu.memory_space<vmem>> -> memref<1x128xi32, #tpu.memory_space<vmem>>
    %dma_wait3A_75 = tpu.memref_squeeze %dma_wait3A_74 : memref<1x128xi32, #tpu.memory_space<vmem>> -> memref<128xi32, #tpu.memory_space<vmem>>
    %dma_wait3A_76 = arith.constant 0 : i32
    %dma_wait3A_77 = arith.constant 0 : i32
    %dma_wait3A_78 = tpu.memref_slice %arg6[%dma_wait3A_76, %dma_wait3A_77] : memref<8x128xf32, #tpu.memory_space<vmem_shared>> -> memref<8x128xf32, #tpu.memory_space<vmem_shared>>
    tpu.wait_indirect_dma semaphore(%arg11 : memref<!tpu.dma_semaphore, #tpu.memory_space<semaphore_mem>>) src(%dma_wait3A_78 : memref<8x128xf32, #tpu.memory_space<vmem_shared>>) dst(%dma_wait3A_72 : memref<128x128xf32, #tpu.memory_space<vmem>>)
    %dma_wait3A_79 = arith.constant 3 : i32
    %dma_wait3A_80 = arith.constant 128 : i32
    %dma_wait3A_81 = arith.constant 0 : i32
    %dma_wait3A_82 = tpu.memref_slice %arg8[%dma_wait3A_80, %dma_wait3A_81] : memref<256x128xf32, #tpu.memory_space<vmem>> -> memref<128x128xf32, #tpu.memory_space<vmem>>
    %dma_wait3A_83 = arith.constant 0 : i32
    %dma_wait3A_84 = tpu.memref_slice %arg5[%dma_wait3A_79, %dma_wait3A_83] : memref<200x128xi32, #tpu.memory_space<vmem>> -> memref<1x128xi32, #tpu.memory_space<vmem>>
    %dma_wait3A_85 = tpu.memref_squeeze %dma_wait3A_84 : memref<1x128xi32, #tpu.memory_space<vmem>> -> memref<128xi32, #tpu.memory_space<vmem>>
    %dma_wait3A_86 = arith.constant 0 : i32
    %dma_wait3A_87 = arith.constant 0 : i32
    %dma_wait3A_88 = tpu.memref_slice %arg6[%dma_wait3A_86, %dma_wait3A_87] : memref<8x128xf32, #tpu.memory_space<vmem_shared>> -> memref<8x128xf32, #tpu.memory_space<vmem_shared>>
    tpu.wait_indirect_dma semaphore(%arg11 : memref<!tpu.dma_semaphore, #tpu.memory_space<semaphore_mem>>) src(%dma_wait3A_88 : memref<8x128xf32, #tpu.memory_space<vmem_shared>>) dst(%dma_wait3A_82 : memref<128x128xf32, #tpu.memory_space<vmem>>)
    %add3A_89 = arith.constant 256 : i32
    %add3A_90 = arith.addi %mul3A_2, %add3A_89 : i32
    %dma_start3A_91 = arith.constant 0 : i32
    %dma_start3A_92 = tpu.memref_slice %arg4[%add3A_90, %dma_start3A_91] : memref<819200x128xf32, #tpu.memory_space<hbm>> -> memref<256x128xf32, #tpu.memory_space<hbm>>
    %dma_start3A_93 = arith.constant 0 : i32
    %dma_start3A_94 = tpu.memref_slice %arg4[%add3A_90, %dma_start3A_93] : memref<819200x128xf32, #tpu.memory_space<hbm>> -> memref<256x128xf32, #tpu.memory_space<hbm>>
    tpu.enqueue_dma source(%arg8 : memref<256x128xf32, #tpu.memory_space<vmem>>) target(%dma_start3A_94 : memref<256x128xf32, #tpu.memory_space<hbm>>) target_semaphore(%arg10 : memref<!tpu.dma_semaphore, #tpu.memory_space<semaphore_mem>>)
    %scan3A = arith.constant 0 : i32
    %scan3A_95 = arith.constant 1 : i32
    %scan3A_96 = arith.constant 49 : i32
    %scan3A_97 = arith.addi %scan3A_95, %scan3A_96 : i32
    %scan3A_98 = arith.constant 1 : i32
    scf.for %scan3A_112 = %scan3A_95 to %scan3A_97 step %scan3A_98  : i32 {
      %mul3A_113 = arith.constant 2 : i32
      %mul3A_114 = arith.muli %scan3A_112, %mul3A_113 : i32
      %add3A_115 = arith.constant 0 : i32
      %add3A_116 = arith.addi %mul3A_114, %add3A_115 : i32
      %dma_wait3A_117 = arith.constant 0 : i32
      %dma_wait3A_118 = arith.constant 0 : i32
      %dma_wait3A_119 = tpu.memref_slice %arg4[%dma_wait3A_117, %dma_wait3A_118] : memref<819200x128xf32, #tpu.memory_space<hbm>> -> memref<256x128xf32, #tpu.memory_space<hbm>>
      %dma_wait3A_120 = arith.constant 0 : i32
      %dma_wait3A_121 = arith.constant 0 : i32
      %dma_wait3A_122 = tpu.memref_slice %arg4[%dma_wait3A_120, %dma_wait3A_121] : memref<819200x128xf32, #tpu.memory_space<hbm>> -> memref<256x128xf32, #tpu.memory_space<hbm>>
      tpu.wait_dma2 semaphore(%arg9 : memref<!tpu.dma_semaphore, #tpu.memory_space<semaphore_mem>>) src(%arg7 : memref<256x128xf32, #tpu.memory_space<vmem>>) dst(%dma_wait3A_122 : memref<256x128xf32, #tpu.memory_space<hbm>>)
      %mul3A_123 = arith.constant 2 : i32
      %mul3A_124 = arith.muli %add3A_116, %mul3A_123 : i32
      %add3A_125 = arith.constant 0 : i32
      %add3A_126 = arith.addi %mul3A_124, %add3A_125 : i32
      %dma_start3A_127 = arith.constant 0 : i32
      %dma_start3A_128 = arith.constant 0 : i32
      %dma_start3A_129 = tpu.memref_slice %arg7[%dma_start3A_127, %dma_start3A_128] : memref<256x128xf32, #tpu.memory_space<vmem>> -> memref<128x128xf32, #tpu.memory_space<vmem>>
      %dma_start3A_130 = arith.constant 0 : i32
      %dma_start3A_131 = tpu.memref_slice %arg5[%add3A_126, %dma_start3A_130] : memref<200x128xi32, #tpu.memory_space<vmem>> -> memref<1x128xi32, #tpu.memory_space<vmem>>
      %dma_start3A_132 = tpu.memref_squeeze %dma_start3A_131 : memref<1x128xi32, #tpu.memory_space<vmem>> -> memref<128xi32, #tpu.memory_space<vmem>>
      %dma_start3A_133 = arith.constant 0 : i32
      %dma_start3A_134 = arith.constant 0 : i32
      %dma_start3A_135 = tpu.memref_slice %arg6[%dma_start3A_133, %dma_start3A_134] : memref<8x128xf32, #tpu.memory_space<vmem_shared>> -> memref<8x128xf32, #tpu.memory_space<vmem_shared>>
      tpu.enqueue_indirect_dma source(%dma_start3A_135 : memref<8x128xf32, #tpu.memory_space<vmem_shared>>) target(%dma_start3A_129 : memref<128x128xf32, #tpu.memory_space<vmem>>) offsets(%dma_start3A_132 : memref<128xi32, #tpu.memory_space<vmem>>) semaphore(%arg11 : memref<!tpu.dma_semaphore, #tpu.memory_space<semaphore_mem>>)
      %add3A_136 = arith.constant 1 : i32
      %add3A_137 = arith.addi %mul3A_124, %add3A_136 : i32
      %dma_start3A_138 = arith.constant 128 : i32
      %dma_start3A_139 = arith.constant 0 : i32
      %dma_start3A_140 = tpu.memref_slice %arg7[%dma_start3A_138, %dma_start3A_139] : memref<256x128xf32, #tpu.memory_space<vmem>> -> memref<128x128xf32, #tpu.memory_space<vmem>>
      %dma_start3A_141 = arith.constant 0 : i32
      %dma_start3A_142 = tpu.memref_slice %arg5[%add3A_137, %dma_start3A_141] : memref<200x128xi32, #tpu.memory_space<vmem>> -> memref<1x128xi32, #tpu.memory_space<vmem>>
      %dma_start3A_143 = tpu.memref_squeeze %dma_start3A_142 : memref<1x128xi32, #tpu.memory_space<vmem>> -> memref<128xi32, #tpu.memory_space<vmem>>
      %dma_start3A_144 = arith.constant 0 : i32
      %dma_start3A_145 = arith.constant 0 : i32
      %dma_start3A_146 = tpu.memref_slice %arg6[%dma_start3A_144, %dma_start3A_145] : memref<8x128xf32, #tpu.memory_space<vmem_shared>> -> memref<8x128xf32, #tpu.memory_space<vmem_shared>>
      tpu.enqueue_indirect_dma source(%dma_start3A_146 : memref<8x128xf32, #tpu.memory_space<vmem_shared>>) target(%dma_start3A_140 : memref<128x128xf32, #tpu.memory_space<vmem>>) offsets(%dma_start3A_143 : memref<128xi32, #tpu.memory_space<vmem>>) semaphore(%arg11 : memref<!tpu.dma_semaphore, #tpu.memory_space<semaphore_mem>>)
      %dma_wait3A_147 = arith.constant 0 : i32
      %dma_wait3A_148 = arith.constant 0 : i32
      %dma_wait3A_149 = tpu.memref_slice %arg7[%dma_wait3A_147, %dma_wait3A_148] : memref<256x128xf32, #tpu.memory_space<vmem>> -> memref<128x128xf32, #tpu.memory_space<vmem>>
      %dma_wait3A_150 = arith.constant 0 : i32
      %dma_wait3A_151 = tpu.memref_slice %arg5[%add3A_126, %dma_wait3A_150] : memref<200x128xi32, #tpu.memory_space<vmem>> -> memref<1x128xi32, #tpu.memory_space<vmem>>
      %dma_wait3A_152 = tpu.memref_squeeze %dma_wait3A_151 : memref<1x128xi32, #tpu.memory_space<vmem>> -> memref<128xi32, #tpu.memory_space<vmem>>
      %dma_wait3A_153 = arith.constant 0 : i32
      %dma_wait3A_154 = arith.constant 0 : i32
      %dma_wait3A_155 = tpu.memref_slice %arg6[%dma_wait3A_153, %dma_wait3A_154] : memref<8x128xf32, #tpu.memory_space<vmem_shared>> -> memref<8x128xf32, #tpu.memory_space<vmem_shared>>
      tpu.wait_indirect_dma semaphore(%arg11 : memref<!tpu.dma_semaphore, #tpu.memory_space<semaphore_mem>>) src(%dma_wait3A_155 : memref<8x128xf32, #tpu.memory_space<vmem_shared>>) dst(%dma_wait3A_149 : memref<128x128xf32, #tpu.memory_space<vmem>>)
      %dma_wait3A_156 = arith.constant 128 : i32
      %dma_wait3A_157 = arith.constant 0 : i32
      %dma_wait3A_158 = tpu.memref_slice %arg7[%dma_wait3A_156, %dma_wait3A_157] : memref<256x128xf32, #tpu.memory_space<vmem>> -> memref<128x128xf32, #tpu.memory_space<vmem>>
      %dma_wait3A_159 = arith.constant 0 : i32
      %dma_wait3A_160 = tpu.memref_slice %arg5[%add3A_137, %dma_wait3A_159] : memref<200x128xi32, #tpu.memory_space<vmem>> -> memref<1x128xi32, #tpu.memory_space<vmem>>
      %dma_wait3A_161 = tpu.memref_squeeze %dma_wait3A_160 : memref<1x128xi32, #tpu.memory_space<vmem>> -> memref<128xi32, #tpu.memory_space<vmem>>
      %dma_wait3A_162 = arith.constant 0 : i32
      %dma_wait3A_163 = arith.constant 0 : i32
      %dma_wait3A_164 = tpu.memref_slice %arg6[%dma_wait3A_162, %dma_wait3A_163] : memref<8x128xf32, #tpu.memory_space<vmem_shared>> -> memref<8x128xf32, #tpu.memory_space<vmem_shared>>
      tpu.wait_indirect_dma semaphore(%arg11 : memref<!tpu.dma_semaphore, #tpu.memory_space<semaphore_mem>>) src(%dma_wait3A_164 : memref<8x128xf32, #tpu.memory_space<vmem_shared>>) dst(%dma_wait3A_158 : memref<128x128xf32, #tpu.memory_space<vmem>>)
      %mul3A_165 = arith.constant 256 : i32
      %mul3A_166 = arith.muli %add3A_116, %mul3A_165 : i32
      %add3A_167 = arith.addi %mul3A_2, %mul3A_166 : i32
      %dma_start3A_168 = arith.constant 0 : i32
      %dma_start3A_169 = tpu.memref_slice %arg4[%add3A_167, %dma_start3A_168] : memref<819200x128xf32, #tpu.memory_space<hbm>> -> memref<256x128xf32, #tpu.memory_space<hbm>>
      %dma_start3A_170 = arith.constant 0 : i32
      %dma_start3A_171 = tpu.memref_slice %arg4[%add3A_167, %dma_start3A_170] : memref<819200x128xf32, #tpu.memory_space<hbm>> -> memref<256x128xf32, #tpu.memory_space<hbm>>
      tpu.enqueue_dma source(%arg7 : memref<256x128xf32, #tpu.memory_space<vmem>>) target(%dma_start3A_171 : memref<256x128xf32, #tpu.memory_space<hbm>>) target_semaphore(%arg9 : memref<!tpu.dma_semaphore, #tpu.memory_space<semaphore_mem>>)
      %mul3A_172 = arith.constant 2 : i32
      %mul3A_173 = arith.muli %scan3A_112, %mul3A_172 : i32
      %add3A_174 = arith.constant 1 : i32
      %add3A_175 = arith.addi %mul3A_173, %add3A_174 : i32
      %dma_wait3A_176 = arith.constant 0 : i32
      %dma_wait3A_177 = arith.constant 0 : i32
      %dma_wait3A_178 = tpu.memref_slice %arg4[%dma_wait3A_176, %dma_wait3A_177] : memref<819200x128xf32, #tpu.memory_space<hbm>> -> memref<256x128xf32, #tpu.memory_space<hbm>>
      %dma_wait3A_179 = arith.constant 0 : i32
      %dma_wait3A_180 = arith.constant 0 : i32
      %dma_wait3A_181 = tpu.memref_slice %arg4[%dma_wait3A_179, %dma_wait3A_180] : memref<819200x128xf32, #tpu.memory_space<hbm>> -> memref<256x128xf32, #tpu.memory_space<hbm>>
      tpu.wait_dma2 semaphore(%arg10 : memref<!tpu.dma_semaphore, #tpu.memory_space<semaphore_mem>>) src(%arg8 : memref<256x128xf32, #tpu.memory_space<vmem>>) dst(%dma_wait3A_181 : memref<256x128xf32, #tpu.memory_space<hbm>>)
      %mul3A_182 = arith.constant 2 : i32
      %mul3A_183 = arith.muli %add3A_175, %mul3A_182 : i32
      %add3A_184 = arith.constant 0 : i32
      %add3A_185 = arith.addi %mul3A_183, %add3A_184 : i32
      %dma_start3A_186 = arith.constant 0 : i32
      %dma_start3A_187 = arith.constant 0 : i32
      %dma_start3A_188 = tpu.memref_slice %arg8[%dma_start3A_186, %dma_start3A_187] : memref<256x128xf32, #tpu.memory_space<vmem>> -> memref<128x128xf32, #tpu.memory_space<vmem>>
      %dma_start3A_189 = arith.constant 0 : i32
      %dma_start3A_190 = tpu.memref_slice %arg5[%add3A_185, %dma_start3A_189] : memref<200x128xi32, #tpu.memory_space<vmem>> -> memref<1x128xi32, #tpu.memory_space<vmem>>
      %dma_start3A_191 = tpu.memref_squeeze %dma_start3A_190 : memref<1x128xi32, #tpu.memory_space<vmem>> -> memref<128xi32, #tpu.memory_space<vmem>>
      %dma_start3A_192 = arith.constant 0 : i32
      %dma_start3A_193 = arith.constant 0 : i32
      %dma_start3A_194 = tpu.memref_slice %arg6[%dma_start3A_192, %dma_start3A_193] : memref<8x128xf32, #tpu.memory_space<vmem_shared>> -> memref<8x128xf32, #tpu.memory_space<vmem_shared>>
      tpu.enqueue_indirect_dma source(%dma_start3A_194 : memref<8x128xf32, #tpu.memory_space<vmem_shared>>) target(%dma_start3A_188 : memref<128x128xf32, #tpu.memory_space<vmem>>) offsets(%dma_start3A_191 : memref<128xi32, #tpu.memory_space<vmem>>) semaphore(%arg11 : memref<!tpu.dma_semaphore, #tpu.memory_space<semaphore_mem>>)
      %add3A_195 = arith.constant 1 : i32
      %add3A_196 = arith.addi %mul3A_183, %add3A_195 : i32
      %dma_start3A_197 = arith.constant 128 : i32
      %dma_start3A_198 = arith.constant 0 : i32
      %dma_start3A_199 = tpu.memref_slice %arg8[%dma_start3A_197, %dma_start3A_198] : memref<256x128xf32, #tpu.memory_space<vmem>> -> memref<128x128xf32, #tpu.memory_space<vmem>>
      %dma_start3A_200 = arith.constant 0 : i32
      %dma_start3A_201 = tpu.memref_slice %arg5[%add3A_196, %dma_start3A_200] : memref<200x128xi32, #tpu.memory_space<vmem>> -> memref<1x128xi32, #tpu.memory_space<vmem>>
      %dma_start3A_202 = tpu.memref_squeeze %dma_start3A_201 : memref<1x128xi32, #tpu.memory_space<vmem>> -> memref<128xi32, #tpu.memory_space<vmem>>
      %dma_start3A_203 = arith.constant 0 : i32
      %dma_start3A_204 = arith.constant 0 : i32
      %dma_start3A_205 = tpu.memref_slice %arg6[%dma_start3A_203, %dma_start3A_204] : memref<8x128xf32, #tpu.memory_space<vmem_shared>> -> memref<8x128xf32, #tpu.memory_space<vmem_shared>>
      tpu.enqueue_indirect_dma source(%dma_start3A_205 : memref<8x128xf32, #tpu.memory_space<vmem_shared>>) target(%dma_start3A_199 : memref<128x128xf32, #tpu.memory_space<vmem>>) offsets(%dma_start3A_202 : memref<128xi32, #tpu.memory_space<vmem>>) semaphore(%arg11 : memref<!tpu.dma_semaphore, #tpu.memory_space<semaphore_mem>>)
      %dma_wait3A_206 = arith.constant 0 : i32
      %dma_wait3A_207 = arith.constant 0 : i32
      %dma_wait3A_208 = tpu.memref_slice %arg8[%dma_wait3A_206, %dma_wait3A_207] : memref<256x128xf32, #tpu.memory_space<vmem>> -> memref<128x128xf32, #tpu.memory_space<vmem>>
      %dma_wait3A_209 = arith.constant 0 : i32
      %dma_wait3A_210 = tpu.memref_slice %arg5[%add3A_185, %dma_wait3A_209] : memref<200x128xi32, #tpu.memory_space<vmem>> -> memref<1x128xi32, #tpu.memory_space<vmem>>
      %dma_wait3A_211 = tpu.memref_squeeze %dma_wait3A_210 : memref<1x128xi32, #tpu.memory_space<vmem>> -> memref<128xi32, #tpu.memory_space<vmem>>
      %dma_wait3A_212 = arith.constant 0 : i32
      %dma_wait3A_213 = arith.constant 0 : i32
      %dma_wait3A_214 = tpu.memref_slice %arg6[%dma_wait3A_212, %dma_wait3A_213] : memref<8x128xf32, #tpu.memory_space<vmem_shared>> -> memref<8x128xf32, #tpu.memory_space<vmem_shared>>
      tpu.wait_indirect_dma semaphore(%arg11 : memref<!tpu.dma_semaphore, #tpu.memory_space<semaphore_mem>>) src(%dma_wait3A_214 : memref<8x128xf32, #tpu.memory_space<vmem_shared>>) dst(%dma_wait3A_208 : memref<128x128xf32, #tpu.memory_space<vmem>>)
      %dma_wait3A_215 = arith.constant 128 : i32
      %dma_wait3A_216 = arith.constant 0 : i32
      %dma_wait3A_217 = tpu.memref_slice %arg8[%dma_wait3A_215, %dma_wait3A_216] : memref<256x128xf32, #tpu.memory_space<vmem>> -> memref<128x128xf32, #tpu.memory_space<vmem>>
      %dma_wait3A_218 = arith.constant 0 : i32
      %dma_wait3A_219 = tpu.memref_slice %arg5[%add3A_196, %dma_wait3A_218] : memref<200x128xi32, #tpu.memory_space<vmem>> -> memref<1x128xi32, #tpu.memory_space<vmem>>
      %dma_wait3A_220 = tpu.memref_squeeze %dma_wait3A_219 : memref<1x128xi32, #tpu.memory_space<vmem>> -> memref<128xi32, #tpu.memory_space<vmem>>
      %dma_wait3A_221 = arith.constant 0 : i32
      %dma_wait3A_222 = arith.constant 0 : i32
      %dma_wait3A_223 = tpu.memref_slice %arg6[%dma_wait3A_221, %dma_wait3A_222] : memref<8x128xf32, #tpu.memory_space<vmem_shared>> -> memref<8x128xf32, #tpu.memory_space<vmem_shared>>
      tpu.wait_indirect_dma semaphore(%arg11 : memref<!tpu.dma_semaphore, #tpu.memory_space<semaphore_mem>>) src(%dma_wait3A_223 : memref<8x128xf32, #tpu.memory_space<vmem_shared>>) dst(%dma_wait3A_217 : memref<128x128xf32, #tpu.memory_space<vmem>>)
      %mul3A_224 = arith.constant 256 : i32
      %mul3A_225 = arith.muli %add3A_175, %mul3A_224 : i32
      %add3A_226 = arith.addi %mul3A_2, %mul3A_225 : i32
      %dma_start3A_227 = arith.constant 0 : i32
      %dma_start3A_228 = tpu.memref_slice %arg4[%add3A_226, %dma_start3A_227] : memref<819200x128xf32, #tpu.memory_space<hbm>> -> memref<256x128xf32, #tpu.memory_space<hbm>>
      %dma_start3A_229 = arith.constant 0 : i32
      %dma_start3A_230 = tpu.memref_slice %arg4[%add3A_226, %dma_start3A_229] : memref<819200x128xf32, #tpu.memory_space<hbm>> -> memref<256x128xf32, #tpu.memory_space<hbm>>
      tpu.enqueue_dma source(%arg8 : memref<256x128xf32, #tpu.memory_space<vmem>>) target(%dma_start3A_230 : memref<256x128xf32, #tpu.memory_space<hbm>>) target_semaphore(%arg10 : memref<!tpu.dma_semaphore, #tpu.memory_space<semaphore_mem>>)
    }
    %scan3A_99 = arith.constant 49 : i32
    %dma_wait3A_100 = arith.constant 0 : i32
    %dma_wait3A_101 = arith.constant 0 : i32
    %dma_wait3A_102 = tpu.memref_slice %arg4[%dma_wait3A_100, %dma_wait3A_101] : memref<819200x128xf32, #tpu.memory_space<hbm>> -> memref<256x128xf32, #tpu.memory_space<hbm>>
    %dma_wait3A_103 = arith.constant 0 : i32
    %dma_wait3A_104 = arith.constant 0 : i32
    %dma_wait3A_105 = tpu.memref_slice %arg4[%dma_wait3A_103, %dma_wait3A_104] : memref<819200x128xf32, #tpu.memory_space<hbm>> -> memref<256x128xf32, #tpu.memory_space<hbm>>
    tpu.wait_dma2 semaphore(%arg9 : memref<!tpu.dma_semaphore, #tpu.memory_space<semaphore_mem>>) src(%arg7 : memref<256x128xf32, #tpu.memory_space<vmem>>) dst(%dma_wait3A_105 : memref<256x128xf32, #tpu.memory_space<hbm>>)
    %dma_wait3A_106 = arith.constant 0 : i32
    %dma_wait3A_107 = arith.constant 0 : i32
    %dma_wait3A_108 = tpu.memref_slice %arg4[%dma_wait3A_106, %dma_wait3A_107] : memref<819200x128xf32, #tpu.memory_space<hbm>> -> memref<256x128xf32, #tpu.memory_space<hbm>>
    %dma_wait3A_109 = arith.constant 0 : i32
    %dma_wait3A_110 = arith.constant 0 : i32
    %dma_wait3A_111 = tpu.memref_slice %arg4[%dma_wait3A_109, %dma_wait3A_110] : memref<819200x128xf32, #tpu.memory_space<hbm>> -> memref<256x128xf32, #tpu.memory_space<hbm>>
    tpu.wait_dma2 semaphore(%arg10 : memref<!tpu.dma_semaphore, #tpu.memory_space<semaphore_mem>>) src(%arg8 : memref<256x128xf32, #tpu.memory_space<vmem>>) dst(%dma_wait3A_111 : memref<256x128xf32, #tpu.memory_space<hbm>>)
    return
  }
}

module attributes {stable_mosaic.version = 14 : i64} {
  func.func @_ln_table_kernel(%arg0: memref<8x128xf32, #tpu.memory_space<vmem>>, %arg1: memref<1x128xf32, #tpu.memory_space<vmem>>, %arg2: memref<1x128xf32, #tpu.memory_space<vmem>>, %arg3: memref<8x128xf32, #tpu.memory_space<vmem>>) attributes {dimension_semantics = [], scalar_prefetch = 0 : i64, scratch_operands = 0 : i64, tpu.core_type = #tpu.core_type<tc>} {
    %get3A = arith.constant 0 : index
    %get3A_0 = arith.constant 0 : index
    %get3A_1 = vector.load %arg0[%get3A, %get3A_0] : memref<8x128xf32, #tpu.memory_space<vmem>>, vector<8x128xf32>
    %reduce_sum3A = arith.constant dense<0.000000e+00> : vector<8xf32>
    %reduce_sum3A_2 = vector.multi_reduction <add>, %get3A_1, %reduce_sum3A [1] : vector<8x128xf32> to vector<8xf32>
    %broadcast_in_dim3A = vector.shape_cast %reduce_sum3A_2 : vector<8xf32> to vector<8x1xf32>
    %div3A = arith.constant 1.280000e+02 : f32
    %div3A_3 = vector.broadcast %div3A : f32 to vector<8x1xf32>
    %div3A_4 = arith.divf %broadcast_in_dim3A, %div3A_3 : vector<8x1xf32>
    %sub3A = vector.broadcast %div3A_4 : vector<8x1xf32> to vector<8x128xf32>
    %sub3A_5 = arith.subf %get3A_1, %sub3A : vector<8x128xf32>
    %mul3A = arith.mulf %sub3A_5, %sub3A_5 : vector<8x128xf32>
    %reduce_sum3A_6 = arith.constant dense<0.000000e+00> : vector<8xf32>
    %reduce_sum3A_7 = vector.multi_reduction <add>, %mul3A, %reduce_sum3A_6 [1] : vector<8x128xf32> to vector<8xf32>
    %broadcast_in_dim3A_8 = vector.shape_cast %reduce_sum3A_7 : vector<8xf32> to vector<8x1xf32>
    %div3A_9 = arith.constant 1.280000e+02 : f32
    %div3A_10 = vector.broadcast %div3A_9 : f32 to vector<8x1xf32>
    %div3A_11 = arith.divf %broadcast_in_dim3A_8, %div3A_10 : vector<8x1xf32>
    %add3A = arith.constant 9.99999996E-13 : f32
    %add3A_12 = vector.broadcast %add3A : f32 to vector<8x1xf32>
    %add3A_13 = arith.addf %div3A_11, %add3A_12 : vector<8x1xf32>
    %rsqrt3A = math.rsqrt %add3A_13 : vector<8x1xf32>
    %mul3A_14 = vector.broadcast %rsqrt3A : vector<8x1xf32> to vector<8x128xf32>
    %mul3A_15 = arith.mulf %sub3A_5, %mul3A_14 : vector<8x128xf32>
    %get3A_16 = arith.constant 0 : index
    %get3A_17 = arith.constant 0 : index
    %get3A_18 = vector.load %arg1[%get3A_16, %get3A_17] : memref<1x128xf32, #tpu.memory_space<vmem>>, vector<1x128xf32>
    %mul3A_19 = vector.broadcast %get3A_18 : vector<1x128xf32> to vector<8x128xf32>
    %mul3A_20 = arith.mulf %mul3A_15, %mul3A_19 : vector<8x128xf32>
    %get3A_21 = arith.constant 0 : index
    %get3A_22 = arith.constant 0 : index
    %get3A_23 = vector.load %arg2[%get3A_21, %get3A_22] : memref<1x128xf32, #tpu.memory_space<vmem>>, vector<1x128xf32>
    %add3A_24 = vector.broadcast %get3A_23 : vector<1x128xf32> to vector<8x128xf32>
    %add3A_25 = arith.addf %mul3A_20, %add3A_24 : vector<8x128xf32>
    %swap3A = arith.constant 0 : index
    %swap3A_26 = arith.constant 0 : index
    %swap3A_27 = vector.load %arg3[%swap3A, %swap3A_26] : memref<8x128xf32, #tpu.memory_space<vmem>>, vector<8x128xf32>
    tpu.vector_store %arg3[%swap3A, %swap3A_26], %add3A_25 {strides = array<i32>} : memref<8x128xf32, #tpu.memory_space<vmem>>, vector<8x128xf32>,
    return
  }
}

</mosaic_0001>

<sc_bundles>
// kernel: kernel.4.cloned.1.call-start
scs
__scs_entry_jumppad:
0x0: {  	(pc) =	sbr.rel $0x88, $3  }
0x1: {  	(tag) =	ssettag $0x0;
	lr =	simm.s32 $0x1  }
0x2: {  	[smem:$0x3F9C] =	sst lr;
	_ =	strace $0xD0000000  }
0x3: {  	_ = 	snop  }
0x4: {  	_ = 	snop  }
0x5: {  	_ = 	snop  }
0x6: {  	_ = 	snop  }
0x7: {  	_ = 	snop  }
__scs_overlays_trampoline_lowered:
0x8: {  	[smem:$0x3FAB] =	sst s0  }
0x9: {  	[smem:$0x3FAC] =	sst s1  }
0xa: {  	[smem:$0x3FAD] =	sst s2  }
0xb: {  	[smem:$0x3FAE] =	sst s3  }
0xc: {  	[smem:$0x3FAF] =	sst s4  }
0xd: {  	[smem:$0x3FB0] =	sst s5  }
0xe: {  	[smem:$0x3FB1] =	sst s6  }
0xf: {  	[smem:$0x3FB2] =	sst s7  }
0x10: {  	[smem:$0x3FB3] =	sst s8  }
0x11: {  	[smem:$0x3FB4] =	sst s9;
	s0 =	simm.s32 @!p0 $0x0  }
0x12: {  	s1 =	sld [smem:$0x3F9A];
	s0 =	simm.s32 @p0 $0x1  }
0x13: {  	[smem:$0x3FB5] =	sst s0;
	s0 =	simm.s32 @!p1 $0x0  }
0x14: {  	s2 =	sld [smem:$0x3F99];
	s0 =	simm.s32 @p1 $0x1  }
0x15: {  	[smem:$0x3FB6] =	sst s0;
	s0 =	simm.s32 @!p2 $0x0  }
0x16: {  	s3 =	sld [smem:$0x3FDB];
	s0 =	simm.s32 @p2 $0x1  }
0x17: {  	s4 =	simm.s32 $0x1BF5;
	[smem:$0x3FB8] =	sst s0  }
0x18: {  	s0 =	sld [smem:$0x3F9B];
	_ =	swait.ge [sflag:s4], $0x0  }
0x19: {  	s7 =	sld [smem:$0x3F9C]  }
0x1a: {  	s8 =	sadd.s32 $0xFFFFE003, lr  }
0x1b: {  	s9 =	sadd.s32 $0xFFFFFEF7, lr;
	s5 =	simm.s32 $0xFFFFFFFF;
	p2 =	slt.u32 s8, $0xFFFFF086  }
0x1c: {  	p1 =	slt.u32 s9, $0xF7A;
	s5 =	simm.s32 @!p2 $0x0  }
0x1d: {  	s5 =	simm.s32 @p1 $0x1;
	p0 =	seq.s32 s7, s2  }
0x1e: {  	s7 =	smul.u32 @!p0 $0xF7A, s2;
	p2 =	seq.s32 @!p0 s5, $0x0  }
0x1f: {  	s9 =	smul.u32 $0xF7A, s1;
	s8 =	simm.s32 @!p0 $0x1BF5;
	p2 =	por !p2, p0  }
0x20: {  	[sflag:s8] =	ssyncset.s32 @!p0 $0xFFFFF086;
	s6 =	sadd.s32 @!p0 s3, s7;
	s7 =	simm.s32 @!p0 $0x108  }
0x21: {  	s3 =	sadd.s32 s3, s9;
	s6 =	sadd.s32 @!p0 $0x88, s6;
	s7 =	simm.s32 @p2 $0x1082  }
0x22: {  	[simem:s7], [sflag:s8] =	dma.local @!p0 [hbm:s6], $0xF7A  }
0x23: {  	s9 =	sor.u32 $0xD0000000, s2;
	s6 =	simm.s32 $0x108;
	_ =	swait.ge @!p0 [sflag:s8], $0x0  }
0x24: {  	s3 =	sadd.s32 $0x88, s3;
	s6 =	simm.s32 @!p1 $0x1082;
	[sflag:s4] =	ssyncset.s32 $0xFFFFF086  }
0x25: {  	[simem:s6], [sflag:s4] =	dma.local [hbm:s3], $0xF7A  }
0x26: {  	[smem:$0x3F9C] =	sst s1;
	(tag) =	ssettag s2;
	_ =	strace s9  }
0x27: {  	s1 =	sld [smem:$0x3FAC]  }
0x28: {  	s2 =	sld [smem:$0x3FAD]  }
0x29: {  	s4 =	sld [smem:$0x3FAF]  }
0x2a: {  	p0 =	seq.s32 s5, $0x0;
	s5 =	sld [smem:$0x3FB0]  }
0x2b: {  	s6 =	sld [smem:$0x3FB1]  }
0x2c: {  	s7 =	sld [smem:$0x3FB2]  }
0x2d: {  	s3 =	simm.s32 $0x108;
	s8 =	sld [smem:$0x3FB3]  }
0x2e: {  	s3 =	simm.s32 @!p0 $0x1082;
	s9 =	sld [smem:$0x3FB4]  }
0x2f: {  	lr =	sadd.s32 s0, s3;
	s0 =	sld [smem:$0x3FAB]  }
0x30: {  	s3 =	sld [smem:$0x3FAE]  }
0x31: {  	[smem:$0x3FB7] =	sst s10  }
0x32: {  	s10 =	sld [smem:$0x3FB5];
	_ =	sdelay $0x3  }
0x33: {  	p0 =	seq.s32 s10, $0x1;
	s10 =	sld [smem:$0x3FB7];
	_ =	sdelay $0x3  }
0x34: {  	[smem:$0x3FB7] =	sst s10  }
0x35: {  	s10 =	sld [smem:$0x3FB6];
	_ =	sdelay $0x3  }
0x36: {  	p1 =	seq.s32 s10, $0x1;
	s10 =	sld [smem:$0x3FB7];
	_ =	sdelay $0x3  }
0x37: {  	[smem:$0x3FB7] =	sst s10  }
0x38: {  	s10 =	sld [smem:$0x3FB8]  }
0x39: {  	_ = 	snop;
	(pc) =	sbr.ind lr, $3  }
0x3a: {  	_ = 	snop  }
0x3b: {  	_ = 	snop  }
0x3c: {  	p2 =	seq.s32 s10, $0x1;
	s10 =	sld [smem:$0x3FB7]  }
0x3d: {  	_ =	shalt  }
0x3e: {  	_ =	shalt  }
0x3f: {  	_ =	shalt  }
0x40: {  	_ =	shalt  }
0x41: {  	_ =	shalt  }
0x42: {  	_ =	shalt  }
0x43: {  	_ =	shalt  }
0x44: {  	_ =	shalt  }
0x45: {  	_ =	shalt  }
0x46: {  	_ =	shalt  }
0x47: {  	_ =	shalt  }
0x48: {  	_ =	shalt  }
0x49: {  	_ =	shalt  }
0x4a: {  	_ =	shalt  }
0x4b: {  	_ =	shalt  }
0x4c: {  	_ =	shalt  }
0x4d: {  	_ =	shalt  }
0x4e: {  	_ =	shalt  }
0x4f: {  	_ =	shalt  }
0x50: {  	_ =	shalt  }
0x51: {  	_ =	shalt  }
0x52: {  	_ =	shalt  }
0x53: {  	_ =	shalt  }
0x54: {  	_ =	shalt  }
0x55: {  	_ =	shalt  }
0x56: {  	_ =	shalt  }
0x57: {  	_ =	shalt  }
0x58: {  	_ =	shalt  }
0x59: {  	_ =	shalt  }
0x5a: {  	_ =	shalt  }
0x5b: {  	_ =	shalt  }
0x5c: {  	_ =	shalt  }
0x5d: {  	_ =	shalt  }
0x5e: {  	_ =	shalt  }
0x5f: {  	_ =	shalt  }
0x60: {  	_ =	shalt  }
0x61: {  	_ =	shalt  }
0x62: {  	_ =	shalt  }
0x63: {  	_ =	shalt  }
0x64: {  	_ =	shalt  }
0x65: {  	_ =	shalt  }
0x66: {  	_ =	shalt  }
0x67: {  	_ =	shalt  }
0x68: {  	_ =	shalt  }
0x69: {  	_ =	shalt  }
0x6a: {  	_ =	shalt  }
0x6b: {  	_ =	shalt  }
0x6c: {  	_ =	shalt  }
0x6d: {  	_ =	shalt  }
0x6e: {  	_ =	shalt  }
0x6f: {  	_ =	shalt  }
0x70: {  	_ =	shalt  }
0x71: {  	_ =	shalt  }
0x72: {  	_ =	shalt  }
0x73: {  	_ =	shalt  }
0x74: {  	_ =	shalt  }
0x75: {  	_ =	shalt  }
0x76: {  	_ =	shalt  }
0x77: {  	_ =	shalt  }
0x78: {  	_ =	shalt  }
0x79: {  	_ =	shalt  }
0x7a: {  	_ =	shalt  }
0x7b: {  	_ =	shalt  }
0x7c: {  	_ =	shalt  }
0x7d: {  	_ =	shalt  }
0x7e: {  	_ =	shalt  }
0x7f: {  	_ =	shalt  }
0x80: {  	_ =	shalt  }
0x81: {  	_ =	shalt  }
0x82: {  	_ =	shalt  }
0x83: {  	_ =	shalt  }
0x84: {  	_ =	shalt  }
0x85: {  	_ =	shalt  }
0x86: {  	_ =	shalt  }
0x87: {  	_ =	shalt  }
.Lfunc_end0:
.L_simem_size_0:
called_computation_lowered:
.L_overlay_start_0:
0x88: {  	s2 =	sld [smem:$0x3FD9]  }
0x89: {  	s3 =	sld [smem:$0x3FFE];
	_ =	sdelay $0x1  }
0x8a: {  	s1 =	srdreg.scid  }
0x8b: {  	s0 =	sand.u32 $0x1, s1  }
0x8c: {  	s14 =	sshll.u32 s0, $0xA;
	s2 =	sadd.s32 s3, s2  }
0x8d: {  	s2 =	sadd.s32 s2, s14  }
0x8e: {  	[smem:$0x3FC3] =	sst s2  }
0x8f: {  	_ = 	snop  }
0x90: {  	s2 =	sld [smem:$0x3FD0];
	_ =	sdelay $0x2  }
0x91: {  	s15 =	simm.s32 $0xA;
	s4 =	simm.s32 $0x10  }
0x92: {  	[smem:s4], [sflag:s15] =	dma.local [hbm:s2], $0x1  }
0x93: {  	_ =	swait.eq [sflag:s15], $0x1  }
0x94: {  	[sflag:s15] =	ssyncset.done $0x0  }
0x95: {  	s16 =	sld [smem:$0x10];
	[sflag:s15] =	ssyncadd.s32 $0xFFFFFFFF  }
0x96: {  	s17 =	sld [smem:$0x11];
	(tm) =	ssettm $0x1  }
0x97: {  	s18 =	sld [smem:$0x3FFB];
	_ =	sdelay $0x3  }
0x98: {  	_ =	strace s18  }
0x99: {  	s4 =	sld [smem:$0x3FFC];
	_ =	sdelay $0x3  }
0x9a: {  	_ =	strace s4  }
0x9b: {  	s4 =	sld [smem:$0x3FFD];
	_ =	sdelay $0x3  }
0x9c: {  	_ =	strace s4  }
0x9d: {  	_ =	strace $0x8FFFFFFF  }
0x9e: {  	s19 =	sld [smem:$0x3FDB];
	_ =	sdelay $0x1  }
0x9f: {  	s5 =	simm.s32 $_scs_section_size  }
0xa0: {  	s6 =	simm.s32 $_size__tile_overlayer_lowered;
	s7 =	simm.s32 $_tile_overlayer_lowered  }
0xa1: {  	s22 =	simm.s32 $0x1BFF;
	s21 =	sshll.u32 s7, $0x1;
	s4 =	sadd.s32 s5, s19  }
0xa2: {  	s8 =	simm.s32 $0x0;
	s20 =	sshll.u32 s6, $0x1;
	s6 =	sadd.s32 s21, s4  }
0xa3: {  	[timem:s8], [sflag:s22] =	dma.local [hbm:s6], s20  }
0xa4: {  	_ =	swait.ge [sflag:s22], s20  }
0xa5: {  	s5 =	ssub.s32 $0x0, s20;
	[sflag:s22] =	ssyncset.done $0x0  }
0xa6: {  	[sflag:s22] =	ssyncadd.s32 s5;
	_ =	sdelay $0x1  }
0xa7: {  	s23 =	simm.s32 $0x1B8B  }
0xa8: {  	_ =	swait.ge [sflag:s23], $0x1  }
0xa9: {  	[sflag:s23] =	ssyncset.done $0x0  }
0xaa: {  	s25 =	simm.s32 $0x1B8E;
	s24 =	sld [smem:$0x3FFE];
	[sflag:s23] =	ssyncadd.s32 $0xFFFFFFFF  }
0xab: {  	s26 =	simm.s32 $execute0_lowered;
	[smem:$0x3FD2] =	sst s25  }
0xac: {  	s6 =	sshll.u32 s26, $0x1;
	_ =	strace $0x80000046;
	[dreg:$0x1] =	wrdreg $0xFFFFFFFF  }
0xad: {  	s28 =	simm.s32 $_size_execute0_lowered;
	s4 =	sadd.s32 s4, s6;
	[dreg:$0x0] =	wrdreg $0x0  }
0xae: {  	s6 =	sshll.u32 s28, $0x1;
	[dreg:$0x2] =	wrdreg s4  }
0xaf: {  	[dreg:$0x3] =	wrdreg s6  }
0xb0: {  	[dreg:$0x4] =	wrdreg $0xC0  }
0xb1: {  	_ =	task [dreg:s8], $0x5FFFF  }
0xb2: {  	[dreg:$0x1] =	wrdreg $0xFFFFFFFF  }
0xb3: {  	[dreg:$0x0] =	wrdreg $0x60  }
0xb4: {  	[dreg:$0x2] =	wrdreg s17  }
0xb5: {  	[dreg:$0x3] =	wrdreg s24  }
0xb6: {  	[dreg:$0x4] =	wrdreg s16  }
0xb7: {  	[dreg:$0x5] =	wrdreg $0x64000  }
0xb8: {  	[dreg:$0x6] =	wrdreg $0x9  }
0xb9: {  	_ =	task.clear_ibuf [dreg:s8], $0x7FFFF;
	_ =	strace $0x90000046  }
0xba: {  	s29 =	simm.s32 $0x9;
	_ =	strace $0x80000048  }
0xbb: {  	_ =	swait.ge [sflag:s29], $0x1  }
0xbc: {  	[sflag:s29] =	ssyncadd.s32 $0xFFFFFFFF  }
0xbd: {  	_ =	strace $0x90000048  }
0xbe: {  	_ =	sfence  }
0xbf: {  	s30 =	sld [smem:$0x0];
	_ =	sdelay $0x2  }
0xc0: {  	s31 =	sshll.u32 s1, $0xD;
	s1 =	sshrl.u32 s1, $0x2  }
0xc1: {  	s3 =	sand.u32 $0x4000, s31;
	s1 =	sadd.s32 s1, s30  }
0xc2: {  	s0 =	sor.u32 s3, s0;
	s1 =	sshll.u32 s1, $0x11  }
0xc3: {  	s0 =	sor.u32 s1, s0  }
0xc4: {  	s0 =	sadd.s32 $0x8F2B, s0  }
0xc5: {  	[sflag:s0] =	ssyncadd.remote.s32 $0x1  }
0xc6: {  	_ =	sfence.sel $0xFFFF  }
0xc7: {  	[dreg:$0x0] =	wrdreg $0xFFFFFFFF;
	(pc) =	sbr.abs _section_cstart, $3  }
0xc8: {  	[dreg:$0x1] =	wrdreg $0xFFFFFFFF  }
0xc9: {  	_ =	task.clear_ibuf [dreg:s8], $0x2FFFF;
	_ =	strace $0x9FFFFFFF  }
0xca: {  	(tm) =	ssettm $0x7FFFFFFF  }
0xcb: {  	_ =	shalt  }
tec
execute0_lowered:
.L_overlay_start_1:
0x0: {  	(tag) =	ssettag $0x1  }
0x1: {  	s0 =	rddreg [dreg:$0x0]  }
0x2: {  	s4 =	rddreg [dreg:$0x1]  }
0x3: {  	s1 =	srdreg.scid;
	s9 =	rddreg [dreg:$0x2]  }
0x4: {  	s8 =	stileid.u32;
	s2 =	rddreg [dreg:$0x3];
	s3 =	simm.s32 $0x0  }
0x5: {  	s14 =	simm.s32 $0xA440;
	s15 =	simm.s32 $0x3;
	s16 =	simm.s32 $0x100  }
0x6: {  	s17 =	simm.s32 $0xE440;
	s18 =	simm.s32 $0x180;
	s19 =	simm.s32 $0x12440  }
0x7: {  	s20 =	simm.s32 $0x1;
	s21 =	simm.s32 $0x2;
	s22 =	simm.s32 $0x0  }
0x8: {  	s5 =	sand.u32 $0x1, s1;
	s28 =	sshll.u32 s8, $0x1;
	s1 =	rddreg [dreg:$0x4]  }
0x9: {  	[smem:$0x7FF] =	sst s3;
	s11 =	smul.u32 $0x640000, s8;
	p0 =	sne.s32 s8, $0x0  }
0xa: {  	s6 =	sor.u32 s5, s28;
	s10 =	ssub.s32 $0x2, s5;
	s13 =	smul.u32 $0x320000, s5  }
0xb: {  	_ =	strace $0x80000047;
	s7 =	smul.u32 $0xC80, s6;
	s12 =	sshrl.u32 s10, $0x1  }
0xc: {  	s6 =	smul.u32 $0x64000, s6;
	s30 =	ssub.s32 s10, s12;
	s31 =	sadd.s32 s13, s11  }
0xd: {  	s12 =	simm.s32 $0x80;
	s13 =	simm.s32 $0x6440;
	s29 =	sadd.s32 s7, s4  }
0xe: {  	s4 =	sadd.s32 s9, s6;
	s7 =	smax.u32 s30, $0x1;
	s11 =	sor.u32 $0x10000, s31  }
0xf: {  	s10 =	sor.u32 $0x18000, s31;
	s5 =	sadd.s32 $0xE00, s29;
	s11 =	sshrl.u32 s11, $0x3  }
0x10: {  	s6 =	sadd.s32 $0x1000, s4;
	s10 =	sshrl.u32 s10, $0x3;
	s8 =	sadd.s32 s11, s9  }
0x11: {  	s9 =	sadd.s32 s10, s9;
	s10 =	sshrl.u32 @!p0 s2, $0x3;
	s11 =	simm.s32 $0x4  }
.LBB2_1:
0x12: {  	s23 =	simm.s32 @!p0 $0x1C04  }
0x13: {  	[spmem:s10], [sflag:s23] =	dma.local @!p0 [hbm:s0], $0x80  }
0x14: {  	s23 =	simm.s32 @!p0 $0x4  }
0x15: {  	_ =	swait.ge @!p0 [sflag:s23], $0x80  }
0x16: {  	[sflag:s23] =	ssyncset.done @!p0 $0x0  }
0x17: {  	[sflag:s23] =	ssyncadd.s32 @!p0 $0xFFFFFF80  }
0x18: {  	[tilespmem:s3], [sflag:$0x4] =	stream.linear.gather [hbm4b:s5+s3], $0x6400, $0x38;
	[tilespmem:$0x16440] =	vst v63  }
0x19: {  	_ =	swait.ge [sflag:s11], $0x6400  }
0x1a: {  	[sflag:s11] =	ssyncset.done $0x0  }
0x1b: {  	[sflag:s11] =	ssyncadd.s32 $0xFFFF9C00  }
0x1c: {  	[bflag:$0x0] =	sbarrier.arrive $0xFFFF  }
0x1d: {  	[tilespmem:s13], [sflag:$0x3] =	stream.indirect.gather [spmem:s2], $0x80, s3, s12, $0xb8;
	[tilespmem:$0x16440] =	vst v63  }
0x1e: {  	_ = 	snop  }
0x1f: {  	[tilespmem:s14], [sflag:$0x3] =	stream.indirect.gather [spmem:s2], $0x80, s12, s12, $0xb8;
	[tilespmem:$0x16440] =	vst v63  }
0x20: {  	_ =	swait.ge [sflag:s15], $0x4000  }
0x21: {  	[sflag:s15] =	ssyncset.done $0x0  }
0x22: {  	[sflag:s15] =	ssyncadd.s32 $0xFFFFC000  }
0x23: {  	_ =	swait.ge [sflag:s15], $0x4000  }
0x24: {  	[sflag:s15] =	ssyncset.done $0x0  }
0x25: {  	[sflag:s15] =	ssyncadd.s32 $0xFFFFC000  }
0x26: {  	[hbm4b:s4+s3] =	stream.linear.scatter [tilespmem:s13], [sflag:$0x1], $0x8000, $0x38;
	[tilespmem:$0x16440] =	vst v63  }
0x27: {  	_ = 	snop  }
0x28: {  	[tilespmem:s17], [sflag:$0x3] =	stream.indirect.gather [spmem:s2], $0x80, s16, s12, $0xb8;
	[tilespmem:$0x16440] =	vst v63  }
0x29: {  	_ = 	snop  }
0x2a: {  	[tilespmem:s19], [sflag:$0x3] =	stream.indirect.gather [spmem:s2], $0x80, s18, s12, $0xb8;
	[tilespmem:$0x16440] =	vst v63  }
0x2b: {  	_ =	swait.ge [sflag:s15], $0x4000  }
0x2c: {  	[sflag:s15] =	ssyncset.done $0x0  }
0x2d: {  	[sflag:s15] =	ssyncadd.s32 $0xFFFFC000  }
0x2e: {  	_ =	swait.ge [sflag:s15], $0x4000  }
0x2f: {  	[sflag:s15] =	ssyncset.done $0x0  }
0x30: {  	[sflag:s15] =	ssyncadd.s32 $0xFFFFC000  }
0x31: {  	[hbm4b:s6+s3] =	stream.linear.scatter [tilespmem:s17], [sflag:$0x2], $0x8000, $0x38;
	[tilespmem:$0x16440] =	vst v63  }
0x32: {  	_ =	swait.ge [sflag:s20], $0x8000  }
0x33: {  	[sflag:s20] =	ssyncset.done $0x0  }
0x34: {  	s28 =	simm.s32 $0x200;
	[sflag:s20] =	ssyncadd.s32 $0xFFFF8000  }
0x35: {  	[tilespmem:s13], [sflag:$0x3] =	stream.indirect.gather [spmem:s2], $0x80, s28, s12, $0xb8;
	[tilespmem:$0x16440] =	vst v63  }
0x36: {  	s29 =	simm.s32 $0x280  }
0x37: {  	[tilespmem:s14], [sflag:$0x3] =	stream.indirect.gather [spmem:s2], $0x80, s29, s12, $0xb8;
	[tilespmem:$0x16440] =	vst v63  }
0x38: {  	_ =	swait.ge [sflag:s15], $0x4000  }
0x39: {  	[sflag:s15] =	ssyncset.done $0x0  }
0x3a: {  	[sflag:s15] =	ssyncadd.s32 $0xFFFFC000  }
0x3b: {  	_ =	swait.ge [sflag:s15], $0x4000  }
0x3c: {  	[sflag:s15] =	ssyncset.done $0x0  }
0x3d: {  	[sflag:s15] =	ssyncadd.s32 $0xFFFFC000  }
0x3e: {  	[hbm4b:s8+s3] =	stream.linear.scatter [tilespmem:s13], [sflag:$0x1], $0x8000, $0x38;
	[tilespmem:$0x16440] =	vst v63  }
0x3f: {  	_ =	swait.ge [sflag:s21], $0x8000  }
0x40: {  	[sflag:s21] =	ssyncset.done $0x0  }
0x41: {  	s30 =	simm.s32 $0x300;
	[sflag:s21] =	ssyncadd.s32 $0xFFFF8000  }
0x42: {  	[tilespmem:s17], [sflag:$0x3] =	stream.indirect.gather [spmem:s2], $0x80, s30, s12, $0xb8;
	[tilespmem:$0x16440] =	vst v63  }
0x43: {  	s31 =	simm.s32 $0x380  }
0x44: {  	[tilespmem:s19], [sflag:$0x3] =	stream.indirect.gather [spmem:s2], $0x80, s31, s12, $0xb8;
	[tilespmem:$0x16440] =	vst v63  }
0x45: {  	_ =	swait.ge [sflag:s15], $0x4000  }
0x46: {  	[sflag:s15] =	ssyncset.done $0x0  }
0x47: {  	[sflag:s15] =	ssyncadd.s32 $0xFFFFC000  }
0x48: {  	_ =	swait.ge [sflag:s15], $0x4000  }
0x49: {  	s24 =	sadd.s32 $0x2000, s8;
	s25 =	sadd.s32 $0x2000, s9;
	[sflag:s15] =	ssyncset.done $0x0  }
0x4a: {  	s26 =	smov.u32 s9;
	s23 =	simm.s32 $0x800;
	[sflag:s15] =	ssyncadd.s32 $0xFFFFC000  }
.LBB2_2:
0x4b: {  	[hbm4b:s26+s3] =	stream.linear.scatter [tilespmem:s17], [sflag:$0x2], $0x8000, $0x38;
	[tilespmem:$0x16440] =	vst v63  }
0x4c: {  	s28 =	smov.u32 s23;
	s26 =	smov.u32 s25  }
0x4d: {  	p1 =	sne.s32 s23, $0x18000;
	s23 =	sadd.s32 $0x800, s23;
	_ =	swait.ge [sflag:s20], $0x8000  }
0x4e: {  	s28 =	sshra.s32 s28, $0x2;
	[sflag:s20] =	ssyncset.done $0x0  }
0x4f: {  	s29 =	sadd.s32 $0x200, s28;
	[sflag:s20] =	ssyncadd.s32 $0xFFFF8000  }
0x50: {  	[tilespmem:s13], [sflag:$0x3] =	stream.indirect.gather [spmem:s2], $0x80, s29, s12, $0xb8;
	[tilespmem:$0x16440] =	vst v63  }
0x51: {  	s29 =	sadd.s32 $0x280, s28  }
0x52: {  	[tilespmem:s14], [sflag:$0x3] =	stream.indirect.gather [spmem:s2], $0x80, s29, s12, $0xb8;
	[tilespmem:$0x16440] =	vst v63  }
0x53: {  	_ =	swait.ge [sflag:s15], $0x4000  }
0x54: {  	[sflag:s15] =	ssyncset.done $0x0  }
0x55: {  	[sflag:s15] =	ssyncadd.s32 $0xFFFFC000  }
0x56: {  	_ =	swait.ge [sflag:s15], $0x4000  }
0x57: {  	[sflag:s15] =	ssyncset.done $0x0  }
0x58: {  	[sflag:s15] =	ssyncadd.s32 $0xFFFFC000  }
0x59: {  	[hbm4b:s24+s3] =	stream.linear.scatter [tilespmem:s13], [sflag:$0x1], $0x8000, $0x38;
	[tilespmem:$0x16440] =	vst v63  }
0x5a: {  	_ =	swait.ge [sflag:s21], $0x8000  }
0x5b: {  	[sflag:s21] =	ssyncset.done $0x0  }
0x5c: {  	s29 =	sadd.s32 $0x300, s28;
	[sflag:s21] =	ssyncadd.s32 $0xFFFF8000  }
0x5d: {  	[tilespmem:s17], [sflag:$0x3] =	stream.indirect.gather [spmem:s2], $0x80, s29, s12, $0xb8;
	[tilespmem:$0x16440] =	vst v63  }
0x5e: {  	s28 =	sadd.s32 $0x380, s28  }
0x5f: {  	[tilespmem:s19], [sflag:$0x3] =	stream.indirect.gather [spmem:s2], $0x80, s28, s12, $0xb8;
	[tilespmem:$0x16440] =	vst v63  }
0x60: {  	_ =	swait.ge [sflag:s15], $0x4000  }
.Ltmp0:
0x61: {  	[sflag:s15] =	ssyncset.done $0x0;
	(pc) =	sbr.rel @p1 .LBB2_2-.Ltmp0, $4  }
0x62: {  	[sflag:s15] =	ssyncadd.s32 $0xFFFFC000  }
0x63: {  	_ =	swait.ge [sflag:s15], $0x4000  }
0x64: {  	[sflag:s15] =	ssyncset.done $0x0  }
0x65: {  	s25 =	sadd.s32 $0x2000, s25;
	s24 =	sadd.s32 $0x2000, s24;
	[sflag:s15] =	ssyncadd.s32 $0xFFFFC000  }
0x66: {  	[hbm4b:s26+s3] =	stream.linear.scatter [tilespmem:s17], [sflag:$0x2], $0x8000, $0x38;
	[tilespmem:$0x16440] =	vst v63  }
0x67: {  	s22 =	sadd.s32 $0x1, s22  }
0x68: {  	_ =	swait.ge [sflag:s20], $0x8000;
	p1 =	sne.s32 s22, s7  }
.Ltmp1:
0x69: {  	[sflag:s20] =	ssyncset.done $0x0;
	(pc) =	sbr.rel @p1 .LBB2_1-.Ltmp1, $4  }
0x6a: {  	[sflag:s20] =	ssyncadd.s32 $0xFFFF8000  }
0x6b: {  	_ =	swait.ge [sflag:s21], $0x8000  }
0x6c: {  	[sflag:s21] =	ssyncset.done $0x0  }
0x6d: {  	[sflag:s21] =	ssyncadd.s32 $0xFFFF8000  }
0x6e: {  	_ =	sfence.sel $0x180000  }
0x6f: {  	[bflag:$0x0] =	sbarrier.arrive $0xFFFF  }
0x70: {  	_ =	strace $0x90000047  }
0x71: {  	s0 =	sadd.s32 @!p0 $0x100000, s1;
	[bflag:$0x2] =	sbarrier.arrive $0xFFFF  }
0x72: {  	[sflag:s0] =	ssyncadd.tile.s32 @!p0 $0x1;
	_ =	shalt  }
.Lfunc_end2:
_tile_overlayer_lowered:
.L_overlay_start_2:
0x73: {  	(tag) =	ssettag $0x2  }
0x74: {  	s0 =	rddreg [dreg:$0x0];
	s2 =	stileid.u32  }
0x75: {  	s1 =	rddreg [dreg:$0x1];
	p0 =	sne.s32 s2, $0x0  }
0x76: {  	s3 =	rddreg [dreg:$0x2];
	[bflag:$0x3] =	sbarrier.arrive $0xFFFF;
	s2 =	simm.s32 @!p0 $0x1C04  }
0x77: {  	[timem:s3], [sflag:s2] =	dma.local @!p0 [hbm:s0], s1  }
0x78: {  	s0 =	simm.s32 @!p0 $0x4  }
0x79: {  	_ =	swait.ge @!p0 [sflag:s0], s1  }
0x7a: {  	s1 =	ssub.s32 @!p0 $0x0, s1;
	[sflag:s0] =	ssyncset.done @!p0 $0x0  }
0x7b: {  	[sflag:s0] =	ssyncadd.s32 @!p0 s1  }
0x7c: {  	[bflag:$0x3] =	sbarrier.arrive $0xFFFF  }
0x7d: {  	_ =	shalt  }

</sc_bundles>
